<compile_context>
chip_gen: v7x
topology: tpu7x:2x2x1
jax: 0.10.2.dev20260603
libtpu: 0.0.44.dev20260713+nightly
codegen_flags: <defaults>
</compile_context>

<pallas_src>
import functools

import jax
import jax.numpy as jnp
from jax import lax
from jax.experimental import pallas as pl
from jax.experimental.pallas import tpu as pltpu
from jax.experimental.pallas import tpu_sc as plsc

SEQ = 512
BATCH = 512
DM = 512
NW = 32
BPW = BATCH // NW
CSS = 2
NBUF = 4
T = SEQ // CSS
LANES = 16


def _sc_body(x_hbm, emb_hbm, out_hbm, emb_v, b0_v, b1_v, b2_v, b3_v,
             si0, si1, si2, si3, so0, so1, so2, so3):
    c = lax.axis_index("c")
    s = lax.axis_index("s")
    wid = s * 2 + c
    r0 = wid * BPW
    bufs = (b0_v, b1_v, b2_v, b3_v)
    sin = (si0, si1, si2, si3)
    sout = (so0, so1, so2, so3)

    pltpu.sync_copy(emb_hbm.at[pl.ds(r0, BPW), :], emb_v)

    def in_copy(t, b):
        return pltpu.make_async_copy(
            x_hbm.at[pl.ds(t * CSS, CSS), pl.ds(r0, BPW), :], bufs[b], sin[b])

    def out_copy(t, b):
        return pltpu.make_async_copy(
            bufs[b], out_hbm.at[pl.ds(t * CSS, CSS), pl.ds(r0, BPW), :],
            sout[b])

    def accumulate(b):
        buf = bufs[b]

        @plsc.parallel_loop(0, CSS * BPW, unroll=8)
        def _row(r):
            er = lax.rem(r, BPW)
            cs = lax.div(r, BPW)
            for j in range(DM // LANES):
                sl = pl.ds(j * LANES, LANES)
                plsc.addupdate(buf.at[cs, er, sl], emb_v[er, sl])

    in_copy(0, 0).start()
    in_copy(1, 1).start()

    def outer(u, carry):
        for b in range(NBUF):
            t = u * NBUF + b
            nb = (b + 2) % NBUF

            @pl.when(t + 2 < T)
            def _prefetch():
                @pl.when(t >= 2)
                def _drain():
                    out_copy(t - 2, nb).wait()

                in_copy(t + 2, nb).start()

            in_copy(t, b).wait()
            out_copy(t, b).start()
        return carry

    lax.fori_loop(0, T // NBUF, outer, 0)

    for t in range(T - 4, T):
        out_copy(t, t % NBUF).wait()


def _sc_kernel(x, embedding):
    mesh = plsc.VectorSubcoreMesh(core_axis_name="c", subcore_axis_name="s")
    buf_t = pltpu.VMEM((CSS, BPW, DM), jnp.float32)
    k = functools.partial(
        pl.kernel,
        out_type=jax.ShapeDtypeStruct((SEQ, BATCH, DM), jnp.float32),
        mesh=mesh,
        scratch_types=[
            pltpu.VMEM((BPW, DM), jnp.float32),
            buf_t, buf_t, buf_t, buf_t,
            pltpu.SemaphoreType.DMA, pltpu.SemaphoreType.DMA,
            pltpu.SemaphoreType.DMA, pltpu.SemaphoreType.DMA,
            pltpu.SemaphoreType.DMA, pltpu.SemaphoreType.DMA,
            pltpu.SemaphoreType.DMA, pltpu.SemaphoreType.DMA,
        ],
    )(_sc_body)
    return k(x, embedding)


def kernel(x, embedding):
    return _sc_kernel(x, embedding)

# --- scband reference (transcript-rebuilt; emitter-appended) ---
"""Pipeline reference for scband-learned-positional-encoding-44942537785719 (READ-ONLY COPY).

The authoritative reference and input builder live on the scoring server;
editing this copy changes nothing except your own understanding.
"""

import jax, jax.numpy as jnp
import numpy as np

SEQ_LEN = 512
BATCH = 512
D_MODEL = 512
MAX_LEN = 8192


def setup_inputs(seed: int = 0) -> dict:
    key = jax.random.key(seed)
    k1, k2 = jax.random.split(key)
    x = jax.random.normal(k1, (SEQ_LEN, BATCH, D_MODEL), dtype=jnp.float32)
    # nn.Embedding default init: N(0, 1)
    embedding = jax.random.normal(k2, (MAX_LEN, D_MODEL), dtype=jnp.float32)
    return {"x": x, "embedding": embedding}


def reference(x, embedding):
    # Faithful translation of the torch forward:
    # seq_len = x.size(0)
    seq_len = x.shape[0]
    # positions = arange(seq_len).unsqueeze(1) -> (seq_len, 1)
    positions = jnp.arange(seq_len)[:, None]
    # embedding lookup -> (seq_len, 1, d_model)
    pos_emb = jnp.take(embedding, positions, axis=0)
    # transpose(0, 1) -> (1, seq_len, d_model)
    pos_emb = jnp.transpose(pos_emb, (1, 0, 2))
    # broadcast add (works here because batch == seq_len)
    out = x + pos_emb
    # dropout p=0.0 -> identity in eval/deterministic setting
    return out

if __name__ == "__main__":
    import jax
    _d = setup_inputs()
    print(jax.jit(kernel)(*tuple(_d.values())))

</pallas_src>

<mosaic_0001>
#map = affine_map<(d0, d1) -> (0, 0, 0)>
#map1 = affine_map<(d0, d1) -> (0, 0)>
module attributes {stable_mosaic.version = 14 : i64} {
  func.func @_sc_body(%arg0: i32, %arg1: i32, %arg2: memref<512x512x512xf32, #tpu.memory_space<hbm>>, %arg3: memref<8192x512xf32, #tpu.memory_space<hbm>>, %arg4: memref<512x512x512xf32, #tpu.memory_space<hbm>>, %arg5: memref<16x512xf32, #tpu.memory_space<vmem>>, %arg6: memref<2x16x512xf32, #tpu.memory_space<vmem>>, %arg7: memref<2x16x512xf32, #tpu.memory_space<vmem>>, %arg8: memref<2x16x512xf32, #tpu.memory_space<vmem>>, %arg9: memref<2x16x512xf32, #tpu.memory_space<vmem>>, %arg10: memref<!tpu.dma_semaphore, #tpu.memory_space<semaphore_mem>>, %arg11: memref<!tpu.dma_semaphore, #tpu.memory_space<semaphore_mem>>, %arg12: memref<!tpu.dma_semaphore, #tpu.memory_space<semaphore_mem>>, %arg13: memref<!tpu.dma_semaphore, #tpu.memory_space<semaphore_mem>>, %arg14: memref<!tpu.dma_semaphore, #tpu.memory_space<semaphore_mem>>, %arg15: memref<!tpu.dma_semaphore, #tpu.memory_space<semaphore_mem>>, %arg16: memref<!tpu.dma_semaphore, #tpu.memory_space<semaphore_mem>>, %arg17: memref<!tpu.dma_semaphore, #tpu.memory_space<semaphore_mem>>) attributes {dimension_semantics = [#tpu.dimension_semantics<core_parallel>, #tpu.dimension_semantics<subcore_parallel>], iteration_bounds = array<i64: 2, 16>, scalar_prefetch = 0 : i64, scratch_operands = 13 : i64, tpu.core_type = #tpu.core_type<sc_vector_subcore>, window_params = [{transform_indices = #map}, {transform_indices = #map1}, {transform_indices = #map}]} {
    %mul3A = arith.constant 2 : i32
    %mul3A_0 = arith.muli %arg1, %mul3A : i32
    %add3A = arith.addi %mul3A_0, %arg0 : i32
    %mul3A_1 = arith.constant 16 : i32
    %mul3A_2 = arith.muli %add3A, %mul3A_1 : i32
    "tpu.region"() ({
      %run_scoped3A = tpu.sem_alloc : memref<!tpu.dma_semaphore, #tpu.memory_space<semaphore_mem>>
      %dma_start3A_42 = arith.constant 0 : i32
      %dma_start3A_43 = tpu.memref_slice %arg3[%mul3A_2, %dma_start3A_42] : memref<8192x512xf32, #tpu.memory_space<hbm>> -> memref<16x512xf32, #tpu.memory_space<hbm>>
      %dma_start3A_44 = arith.constant 0 : i32
      %dma_start3A_45 = tpu.memref_slice %arg3[%mul3A_2, %dma_start3A_44] : memref<8192x512xf32, #tpu.memory_space<hbm>> -> memref<16x512xf32, #tpu.memory_space<hbm>>
      tpu.enqueue_dma source(%dma_start3A_45 : memref<16x512xf32, #tpu.memory_space<hbm>>) target(%arg5 : memref<16x512xf32, #tpu.memory_space<vmem>>) target_semaphore(%run_scoped3A : memref<!tpu.dma_semaphore, #tpu.memory_space<semaphore_mem>>)
      %dma_wait3A_46 = arith.constant 0 : i32
      %dma_wait3A_47 = tpu.memref_slice %arg3[%mul3A_2, %dma_wait3A_46] : memref<8192x512xf32, #tpu.memory_space<hbm>> -> memref<16x512xf32, #tpu.memory_space<hbm>>
      %dma_wait3A_48 = arith.constant 0 : i32
      %dma_wait3A_49 = tpu.memref_slice %arg3[%mul3A_2, %dma_wait3A_48] : memref<8192x512xf32, #tpu.memory_space<hbm>> -> memref<16x512xf32, #tpu.memory_space<hbm>>
      tpu.wait_dma2 semaphore(%run_scoped3A : memref<!tpu.dma_semaphore, #tpu.memory_space<semaphore_mem>>) src(%dma_wait3A_49 : memref<16x512xf32, #tpu.memory_space<hbm>>) dst(%arg5 : memref<16x512xf32, #tpu.memory_space<vmem>>)
      tpu.yield
    }) : () -> ()
    %dma_start3A = arith.constant 0 : i32
    %dma_start3A_3 = arith.constant 0 : i32
    %dma_start3A_4 = tpu.memref_slice %arg2[%dma_start3A, %mul3A_2, %dma_start3A_3] : memref<512x512x512xf32, #tpu.memory_space<hbm>> -> memref<2x16x512xf32, #tpu.memory_space<hbm>>
    %dma_start3A_5 = arith.constant 0 : i32
    %dma_start3A_6 = arith.constant 0 : i32
    %dma_start3A_7 = tpu.memref_slice %arg2[%dma_start3A_5, %mul3A_2, %dma_start3A_6] : memref<512x512x512xf32, #tpu.memory_space<hbm>> -> memref<2x16x512xf32, #tpu.memory_space<hbm>>
    tpu.enqueue_dma source(%dma_start3A_7 : memref<2x16x512xf32, #tpu.memory_space<hbm>>) target(%arg6 : memref<2x16x512xf32, #tpu.memory_space<vmem>>) target_semaphore(%arg10 : memref<!tpu.dma_semaphore, #tpu.memory_space<semaphore_mem>>)
    %dma_start3A_8 = arith.constant 2 : i32
    %dma_start3A_9 = arith.constant 0 : i32
    %dma_start3A_10 = tpu.memref_slice %arg2[%dma_start3A_8, %mul3A_2, %dma_start3A_9] : memref<512x512x512xf32, #tpu.memory_space<hbm>> -> memref<2x16x512xf32, #tpu.memory_space<hbm>>
    %dma_start3A_11 = arith.constant 2 : i32
    %dma_start3A_12 = arith.constant 0 : i32
    %dma_start3A_13 = tpu.memref_slice %arg2[%dma_start3A_11, %mul3A_2, %dma_start3A_12] : memref<512x512x512xf32, #tpu.memory_space<hbm>> -> memref<2x16x512xf32, #tpu.memory_space<hbm>>
    tpu.enqueue_dma source(%dma_start3A_13 : memref<2x16x512xf32, #tpu.memory_space<hbm>>) target(%arg7 : memref<2x16x512xf32, #tpu.memory_space<vmem>>) target_semaphore(%arg11 : memref<!tpu.dma_semaphore, #tpu.memory_space<semaphore_mem>>)
    %scan3A = arith.constant 0 : i32
    %scan3A_14 = arith.constant 0 : i32
    %scan3A_15 = arith.constant 64 : i32
    %scan3A_16 = arith.addi %scan3A_14, %scan3A_15 : i32
    %scan3A_17 = arith.constant 1 : i32
    scf.for %scan3A_42 = %scan3A_14 to %scan3A_16 step %scan3A_17  : i32 {
      %mul3A_43 = arith.constant 4 : i32
      %mul3A_44 = arith.muli %scan3A_42, %mul3A_43 : i32
      %add3A_45 = arith.constant 0 : i32
      %add3A_46 = arith.addi %mul3A_44, %add3A_45 : i32
      %add3A_47 = arith.constant 2 : i32
      %add3A_48 = arith.addi %add3A_46, %add3A_47 : i32
      %lt3A = arith.constant 256 : i32
      %lt3A_49 = arith.cmpi slt, %add3A_48, %lt3A : i32
      %convert_element_type3A = arith.extui %lt3A_49 : i1 to i32
      %cond3A = arith.constant 0 : i32
      %cond3A_50 = arith.cmpi ne, %convert_element_type3A, %cond3A : i32
      scf.if %cond3A_50 {
        %ge3A = arith.constant 2 : i32
        %ge3A_132 = arith.cmpi sge, %add3A_46, %ge3A : i32
        %convert_element_type3A_133 = arith.extui %ge3A_132 : i1 to i32
        %cond3A_134 = arith.constant 0 : i32
        %cond3A_135 = arith.cmpi ne, %convert_element_type3A_133, %cond3A_134 : i32
        scf.if %cond3A_135 {
          %sub3A = arith.constant 2 : i32
          %sub3A_144 = arith.subi %add3A_46, %sub3A : i32
          %mul3A_145 = arith.constant 2 : i32
          %mul3A_146 = arith.muli %sub3A_144, %mul3A_145 : i32
          %dma_wait3A_147 = arith.constant 0 : i32
          %dma_wait3A_148 = tpu.memref_slice %arg4[%mul3A_146, %mul3A_2, %dma_wait3A_147] : memref<512x512x512xf32, #tpu.memory_space<hbm>> -> memref<2x16x512xf32, #tpu.memory_space<hbm>>
          %dma_wait3A_149 = arith.constant 0 : i32
          %dma_wait3A_150 = tpu.memref_slice %arg4[%mul3A_146, %mul3A_2, %dma_wait3A_149] : memref<512x512x512xf32, #tpu.memory_space<hbm>> -> memref<2x16x512xf32, #tpu.memory_space<hbm>>
          tpu.wait_dma2 semaphore(%arg16 : memref<!tpu.dma_semaphore, #tpu.memory_space<semaphore_mem>>) src(%arg8 : memref<2x16x512xf32, #tpu.memory_space<vmem>>) dst(%dma_wait3A_150 : memref<2x16x512xf32, #tpu.memory_space<hbm>>)
        } else {
        }
        %add3A_136 = arith.constant 2 : i32
        %add3A_137 = arith.addi %add3A_46, %add3A_136 : i32
        %mul3A_138 = arith.constant 2 : i32
        %mul3A_139 = arith.muli %add3A_137, %mul3A_138 : i32
        %dma_start3A_140 = arith.constant 0 : i32
        %dma_start3A_141 = tpu.memref_slice %arg2[%mul3A_139, %mul3A_2, %dma_start3A_140] : memref<512x512x512xf32, #tpu.memory_space<hbm>> -> memref<2x16x512xf32, #tpu.memory_space<hbm>>
        %dma_start3A_142 = arith.constant 0 : i32
        %dma_start3A_143 = tpu.memref_slice %arg2[%mul3A_139, %mul3A_2, %dma_start3A_142] : memref<512x512x512xf32, #tpu.memory_space<hbm>> -> memref<2x16x512xf32, #tpu.memory_space<hbm>>
        tpu.enqueue_dma source(%dma_start3A_143 : memref<2x16x512xf32, #tpu.memory_space<hbm>>) target(%arg8 : memref<2x16x512xf32, #tpu.memory_space<vmem>>) target_semaphore(%arg12 : memref<!tpu.dma_semaphore, #tpu.memory_space<semaphore_mem>>)
      } else {
      }
      %mul3A_51 = arith.constant 2 : i32
      %mul3A_52 = arith.muli %add3A_46, %mul3A_51 : i32
      %dma_wait3A_53 = arith.constant 0 : i32
      %dma_wait3A_54 = tpu.memref_slice %arg2[%mul3A_52, %mul3A_2, %dma_wait3A_53] : memref<512x512x512xf32, #tpu.memory_space<hbm>> -> memref<2x16x512xf32, #tpu.memory_space<hbm>>
      %dma_wait3A_55 = arith.constant 0 : i32
      %dma_wait3A_56 = tpu.memref_slice %arg2[%mul3A_52, %mul3A_2, %dma_wait3A_55] : memref<512x512x512xf32, #tpu.memory_space<hbm>> -> memref<2x16x512xf32, #tpu.memory_space<hbm>>
      tpu.wait_dma2 semaphore(%arg10 : memref<!tpu.dma_semaphore, #tpu.memory_space<semaphore_mem>>) src(%dma_wait3A_56 : memref<2x16x512xf32, #tpu.memory_space<hbm>>) dst(%arg6 : memref<2x16x512xf32, #tpu.memory_space<vmem>>)
      %mul3A_57 = arith.constant 2 : i32
      %mul3A_58 = arith.muli %add3A_46, %mul3A_57 : i32
      %dma_start3A_59 = arith.constant 0 : i32
      %dma_start3A_60 = tpu.memref_slice %arg4[%mul3A_58, %mul3A_2, %dma_start3A_59] : memref<512x512x512xf32, #tpu.memory_space<hbm>> -> memref<2x16x512xf32, #tpu.memory_space<hbm>>
      %dma_start3A_61 = arith.constant 0 : i32
      %dma_start3A_62 = tpu.memref_slice %arg4[%mul3A_58, %mul3A_2, %dma_start3A_61] : memref<512x512x512xf32, #tpu.memory_space<hbm>> -> memref<2x16x512xf32, #tpu.memory_space<hbm>>
      tpu.enqueue_dma source(%arg6 : memref<2x16x512xf32, #tpu.memory_space<vmem>>) target(%dma_start3A_62 : memref<2x16x512xf32, #tpu.memory_space<hbm>>) target_semaphore(%arg14 : memref<!tpu.dma_semaphore, #tpu.memory_space<semaphore_mem>>)
      %mul3A_63 = arith.constant 4 : i32
      %mul3A_64 = arith.muli %scan3A_42, %mul3A_63 : i32
      %add3A_65 = arith.constant 1 : i32
      %add3A_66 = arith.addi %mul3A_64, %add3A_65 : i32
      %add3A_67 = arith.constant 2 : i32
      %add3A_68 = arith.addi %add3A_66, %add3A_67 : i32
      %lt3A_69 = arith.constant 256 : i32
      %lt3A_70 = arith.cmpi slt, %add3A_68, %lt3A_69 : i32
      %convert_element_type3A_71 = arith.extui %lt3A_70 : i1 to i32
      %cond3A_72 = arith.constant 0 : i32
      %cond3A_73 = arith.cmpi ne, %convert_element_type3A_71, %cond3A_72 : i32
      scf.if %cond3A_73 {
        %ge3A = arith.constant 2 : i32
        %ge3A_132 = arith.cmpi sge, %add3A_66, %ge3A : i32
        %convert_element_type3A_133 = arith.extui %ge3A_132 : i1 to i32
        %cond3A_134 = arith.constant 0 : i32
        %cond3A_135 = arith.cmpi ne, %convert_element_type3A_133, %cond3A_134 : i32
        scf.if %cond3A_135 {
          %sub3A = arith.constant 2 : i32
          %sub3A_144 = arith.subi %add3A_66, %sub3A : i32
          %mul3A_145 = arith.constant 2 : i32
          %mul3A_146 = arith.muli %sub3A_144, %mul3A_145 : i32
          %dma_wait3A_147 = arith.constant 0 : i32
          %dma_wait3A_148 = tpu.memref_slice %arg4[%mul3A_146, %mul3A_2, %dma_wait3A_147] : memref<512x512x512xf32, #tpu.memory_space<hbm>> -> memref<2x16x512xf32, #tpu.memory_space<hbm>>
          %dma_wait3A_149 = arith.constant 0 : i32
          %dma_wait3A_150 = tpu.memref_slice %arg4[%mul3A_146, %mul3A_2, %dma_wait3A_149] : memref<512x512x512xf32, #tpu.memory_space<hbm>> -> memref<2x16x512xf32, #tpu.memory_space<hbm>>
          tpu.wait_dma2 semaphore(%arg17 : memref<!tpu.dma_semaphore, #tpu.memory_space<semaphore_mem>>) src(%arg9 : memref<2x16x512xf32, #tpu.memory_space<vmem>>) dst(%dma_wait3A_150 : memref<2x16x512xf32, #tpu.memory_space<hbm>>)
        } else {
        }
        %add3A_136 = arith.constant 2 : i32
        %add3A_137 = arith.addi %add3A_66, %add3A_136 : i32
        %mul3A_138 = arith.constant 2 : i32
        %mul3A_139 = arith.muli %add3A_137, %mul3A_138 : i32
        %dma_start3A_140 = arith.constant 0 : i32
        %dma_start3A_141 = tpu.memref_slice %arg2[%mul3A_139, %mul3A_2, %dma_start3A_140] : memref<512x512x512xf32, #tpu.memory_space<hbm>> -> memref<2x16x512xf32, #tpu.memory_space<hbm>>
        %dma_start3A_142 = arith.constant 0 : i32
        %dma_start3A_143 = tpu.memref_slice %arg2[%mul3A_139, %mul3A_2, %dma_start3A_142] : memref<512x512x512xf32, #tpu.memory_space<hbm>> -> memref<2x16x512xf32, #tpu.memory_space<hbm>>
        tpu.enqueue_dma source(%dma_start3A_143 : memref<2x16x512xf32, #tpu.memory_space<hbm>>) target(%arg9 : memref<2x16x512xf32, #tpu.memory_space<vmem>>) target_semaphore(%arg13 : memref<!tpu.dma_semaphore, #tpu.memory_space<semaphore_mem>>)
      } else {
      }
      %mul3A_74 = arith.constant 2 : i32
      %mul3A_75 = arith.muli %add3A_66, %mul3A_74 : i32
      %dma_wait3A_76 = arith.constant 0 : i32
      %dma_wait3A_77 = tpu.memref_slice %arg2[%mul3A_75, %mul3A_2, %dma_wait3A_76] : memref<512x512x512xf32, #tpu.memory_space<hbm>> -> memref<2x16x512xf32, #tpu.memory_space<hbm>>
      %dma_wait3A_78 = arith.constant 0 : i32
      %dma_wait3A_79 = tpu.memref_slice %arg2[%mul3A_75, %mul3A_2, %dma_wait3A_78] : memref<512x512x512xf32, #tpu.memory_space<hbm>> -> memref<2x16x512xf32, #tpu.memory_space<hbm>>
      tpu.wait_dma2 semaphore(%arg11 : memref<!tpu.dma_semaphore, #tpu.memory_space<semaphore_mem>>) src(%dma_wait3A_79 : memref<2x16x512xf32, #tpu.memory_space<hbm>>) dst(%arg7 : memref<2x16x512xf32, #tpu.memory_space<vmem>>)
      %mul3A_80 = arith.constant 2 : i32
      %mul3A_81 = arith.muli %add3A_66, %mul3A_80 : i32
      %dma_start3A_82 = arith.constant 0 : i32
      %dma_start3A_83 = tpu.memref_slice %arg4[%mul3A_81, %mul3A_2, %dma_start3A_82] : memref<512x512x512xf32, #tpu.memory_space<hbm>> -> memref<2x16x512xf32, #tpu.memory_space<hbm>>
      %dma_start3A_84 = arith.constant 0 : i32
      %dma_start3A_85 = tpu.memref_slice %arg4[%mul3A_81, %mul3A_2, %dma_start3A_84] : memref<512x512x512xf32, #tpu.memory_space<hbm>> -> memref<2x16x512xf32, #tpu.memory_space<hbm>>
      tpu.enqueue_dma source(%arg7 : memref<2x16x512xf32, #tpu.memory_space<vmem>>) target(%dma_start3A_85 : memref<2x16x512xf32, #tpu.memory_space<hbm>>) target_semaphore(%arg15 : memref<!tpu.dma_semaphore, #tpu.memory_space<semaphore_mem>>)
      %mul3A_86 = arith.constant 4 : i32
      %mul3A_87 = arith.muli %scan3A_42, %mul3A_86 : i32
      %add3A_88 = arith.constant 2 : i32
      %add3A_89 = arith.addi %mul3A_87, %add3A_88 : i32
      %add3A_90 = arith.constant 2 : i32
      %add3A_91 = arith.addi %add3A_89, %add3A_90 : i32
      %lt3A_92 = arith.constant 256 : i32
      %lt3A_93 = arith.cmpi slt, %add3A_91, %lt3A_92 : i32
      %convert_element_type3A_94 = arith.extui %lt3A_93 : i1 to i32
      %cond3A_95 = arith.constant 0 : i32
      %cond3A_96 = arith.cmpi ne, %convert_element_type3A_94, %cond3A_95 : i32
      scf.if %cond3A_96 {
        %ge3A = arith.constant 2 : i32
        %ge3A_132 = arith.cmpi sge, %add3A_89, %ge3A : i32
        %convert_element_type3A_133 = arith.extui %ge3A_132 : i1 to i32
        %cond3A_134 = arith.constant 0 : i32
        %cond3A_135 = arith.cmpi ne, %convert_element_type3A_133, %cond3A_134 : i32
        scf.if %cond3A_135 {
          %sub3A = arith.constant 2 : i32
          %sub3A_144 = arith.subi %add3A_89, %sub3A : i32
          %mul3A_145 = arith.constant 2 : i32
          %mul3A_146 = arith.muli %sub3A_144, %mul3A_145 : i32
          %dma_wait3A_147 = arith.constant 0 : i32
          %dma_wait3A_148 = tpu.memref_slice %arg4[%mul3A_146, %mul3A_2, %dma_wait3A_147] : memref<512x512x512xf32, #tpu.memory_space<hbm>> -> memref<2x16x512xf32, #tpu.memory_space<hbm>>
          %dma_wait3A_149 = arith.constant 0 : i32
          %dma_wait3A_150 = tpu.memref_slice %arg4[%mul3A_146, %mul3A_2, %dma_wait3A_149] : memref<512x512x512xf32, #tpu.memory_space<hbm>> -> memref<2x16x512xf32, #tpu.memory_space<hbm>>
          tpu.wait_dma2 semaphore(%arg14 : memref<!tpu.dma_semaphore, #tpu.memory_space<semaphore_mem>>) src(%arg6 : memref<2x16x512xf32, #tpu.memory_space<vmem>>) dst(%dma_wait3A_150 : memref<2x16x512xf32, #tpu.memory_space<hbm>>)
        } else {
        }
        %add3A_136 = arith.constant 2 : i32
        %add3A_137 = arith.addi %add3A_89, %add3A_136 : i32
        %mul3A_138 = arith.constant 2 : i32
        %mul3A_139 = arith.muli %add3A_137, %mul3A_138 : i32
        %dma_start3A_140 = arith.constant 0 : i32
        %dma_start3A_141 = tpu.memref_slice %arg2[%mul3A_139, %mul3A_2, %dma_start3A_140] : memref<512x512x512xf32, #tpu.memory_space<hbm>> -> memref<2x16x512xf32, #tpu.memory_space<hbm>>
        %dma_start3A_142 = arith.constant 0 : i32
        %dma_start3A_143 = tpu.memref_slice %arg2[%mul3A_139, %mul3A_2, %dma_start3A_142] : memref<512x512x512xf32, #tpu.memory_space<hbm>> -> memref<2x16x512xf32, #tpu.memory_space<hbm>>
        tpu.enqueue_dma source(%dma_start3A_143 : memref<2x16x512xf32, #tpu.memory_space<hbm>>) target(%arg6 : memref<2x16x512xf32, #tpu.memory_space<vmem>>) target_semaphore(%arg10 : memref<!tpu.dma_semaphore, #tpu.memory_space<semaphore_mem>>)
      } else {
      }
      %mul3A_97 = arith.constant 2 : i32
      %mul3A_98 = arith.muli %add3A_89, %mul3A_97 : i32
      %dma_wait3A_99 = arith.constant 0 : i32
      %dma_wait3A_100 = tpu.memref_slice %arg2[%mul3A_98, %mul3A_2, %dma_wait3A_99] : memref<512x512x512xf32, #tpu.memory_space<hbm>> -> memref<2x16x512xf32, #tpu.memory_space<hbm>>
      %dma_wait3A_101 = arith.constant 0 : i32
      %dma_wait3A_102 = tpu.memref_slice %arg2[%mul3A_98, %mul3A_2, %dma_wait3A_101] : memref<512x512x512xf32, #tpu.memory_space<hbm>> -> memref<2x16x512xf32, #tpu.memory_space<hbm>>
      tpu.wait_dma2 semaphore(%arg12 : memref<!tpu.dma_semaphore, #tpu.memory_space<semaphore_mem>>) src(%dma_wait3A_102 : memref<2x16x512xf32, #tpu.memory_space<hbm>>) dst(%arg8 : memref<2x16x512xf32, #tpu.memory_space<vmem>>)
      %mul3A_103 = arith.constant 2 : i32
      %mul3A_104 = arith.muli %add3A_89, %mul3A_103 : i32
      %dma_start3A_105 = arith.constant 0 : i32
      %dma_start3A_106 = tpu.memref_slice %arg4[%mul3A_104, %mul3A_2, %dma_start3A_105] : memref<512x512x512xf32, #tpu.memory_space<hbm>> -> memref<2x16x512xf32, #tpu.memory_space<hbm>>
      %dma_start3A_107 = arith.constant 0 : i32
      %dma_start3A_108 = tpu.memref_slice %arg4[%mul3A_104, %mul3A_2, %dma_start3A_107] : memref<512x512x512xf32, #tpu.memory_space<hbm>> -> memref<2x16x512xf32, #tpu.memory_space<hbm>>
      tpu.enqueue_dma source(%arg8 : memref<2x16x512xf32, #tpu.memory_space<vmem>>) target(%dma_start3A_108 : memref<2x16x512xf32, #tpu.memory_space<hbm>>) target_semaphore(%arg16 : memref<!tpu.dma_semaphore, #tpu.memory_space<semaphore_mem>>)
      %mul3A_109 = arith.constant 4 : i32
      %mul3A_110 = arith.muli %scan3A_42, %mul3A_109 : i32
      %add3A_111 = arith.constant 3 : i32
      %add3A_112 = arith.addi %mul3A_110, %add3A_111 : i32
      %add3A_113 = arith.constant 2 : i32
      %add3A_114 = arith.addi %add3A_112, %add3A_113 : i32
      %lt3A_115 = arith.constant 256 : i32
      %lt3A_116 = arith.cmpi slt, %add3A_114, %lt3A_115 : i32
      %convert_element_type3A_117 = arith.extui %lt3A_116 : i1 to i32
      %cond3A_118 = arith.constant 0 : i32
      %cond3A_119 = arith.cmpi ne, %convert_element_type3A_117, %cond3A_118 : i32
      scf.if %cond3A_119 {
        %ge3A = arith.constant 2 : i32
        %ge3A_132 = arith.cmpi sge, %add3A_112, %ge3A : i32
        %convert_element_type3A_133 = arith.extui %ge3A_132 : i1 to i32
        %cond3A_134 = arith.constant 0 : i32
        %cond3A_135 = arith.cmpi ne, %convert_element_type3A_133, %cond3A_134 : i32
        scf.if %cond3A_135 {
          %sub3A = arith.constant 2 : i32
          %sub3A_144 = arith.subi %add3A_112, %sub3A : i32
          %mul3A_145 = arith.constant 2 : i32
          %mul3A_146 = arith.muli %sub3A_144, %mul3A_145 : i32
          %dma_wait3A_147 = arith.constant 0 : i32
          %dma_wait3A_148 = tpu.memref_slice %arg4[%mul3A_146, %mul3A_2, %dma_wait3A_147] : memref<512x512x512xf32, #tpu.memory_space<hbm>> -> memref<2x16x512xf32, #tpu.memory_space<hbm>>
          %dma_wait3A_149 = arith.constant 0 : i32
          %dma_wait3A_150 = tpu.memref_slice %arg4[%mul3A_146, %mul3A_2, %dma_wait3A_149] : memref<512x512x512xf32, #tpu.memory_space<hbm>> -> memref<2x16x512xf32, #tpu.memory_space<hbm>>
          tpu.wait_dma2 semaphore(%arg15 : memref<!tpu.dma_semaphore, #tpu.memory_space<semaphore_mem>>) src(%arg7 : memref<2x16x512xf32, #tpu.memory_space<vmem>>) dst(%dma_wait3A_150 : memref<2x16x512xf32, #tpu.memory_space<hbm>>)
        } else {
        }
        %add3A_136 = arith.constant 2 : i32
        %add3A_137 = arith.addi %add3A_112, %add3A_136 : i32
        %mul3A_138 = arith.constant 2 : i32
        %mul3A_139 = arith.muli %add3A_137, %mul3A_138 : i32
        %dma_start3A_140 = arith.constant 0 : i32
        %dma_start3A_141 = tpu.memref_slice %arg2[%mul3A_139, %mul3A_2, %dma_start3A_140] : memref<512x512x512xf32, #tpu.memory_space<hbm>> -> memref<2x16x512xf32, #tpu.memory_space<hbm>>
        %dma_start3A_142 = arith.constant 0 : i32
        %dma_start3A_143 = tpu.memref_slice %arg2[%mul3A_139, %mul3A_2, %dma_start3A_142] : memref<512x512x512xf32, #tpu.memory_space<hbm>> -> memref<2x16x512xf32, #tpu.memory_space<hbm>>
        tpu.enqueue_dma source(%dma_start3A_143 : memref<2x16x512xf32, #tpu.memory_space<hbm>>) target(%arg7 : memref<2x16x512xf32, #tpu.memory_space<vmem>>) target_semaphore(%arg11 : memref<!tpu.dma_semaphore, #tpu.memory_space<semaphore_mem>>)
      } else {
      }
      %mul3A_120 = arith.constant 2 : i32
      %mul3A_121 = arith.muli %add3A_112, %mul3A_120 : i32
      %dma_wait3A_122 = arith.constant 0 : i32
      %dma_wait3A_123 = tpu.memref_slice %arg2[%mul3A_121, %mul3A_2, %dma_wait3A_122] : memref<512x512x512xf32, #tpu.memory_space<hbm>> -> memref<2x16x512xf32, #tpu.memory_space<hbm>>
      %dma_wait3A_124 = arith.constant 0 : i32
      %dma_wait3A_125 = tpu.memref_slice %arg2[%mul3A_121, %mul3A_2, %dma_wait3A_124] : memref<512x512x512xf32, #tpu.memory_space<hbm>> -> memref<2x16x512xf32, #tpu.memory_space<hbm>>
      tpu.wait_dma2 semaphore(%arg13 : memref<!tpu.dma_semaphore, #tpu.memory_space<semaphore_mem>>) src(%dma_wait3A_125 : memref<2x16x512xf32, #tpu.memory_space<hbm>>) dst(%arg9 : memref<2x16x512xf32, #tpu.memory_space<vmem>>)
      %mul3A_126 = arith.constant 2 : i32
      %mul3A_127 = arith.muli %add3A_112, %mul3A_126 : i32
      %dma_start3A_128 = arith.constant 0 : i32
      %dma_start3A_129 = tpu.memref_slice %arg4[%mul3A_127, %mul3A_2, %dma_start3A_128] : memref<512x512x512xf32, #tpu.memory_space<hbm>> -> memref<2x16x512xf32, #tpu.memory_space<hbm>>
      %dma_start3A_130 = arith.constant 0 : i32
      %dma_start3A_131 = tpu.memref_slice %arg4[%mul3A_127, %mul3A_2, %dma_start3A_130] : memref<512x512x512xf32, #tpu.memory_space<hbm>> -> memref<2x16x512xf32, #tpu.memory_space<hbm>>
      tpu.enqueue_dma source(%arg9 : memref<2x16x512xf32, #tpu.memory_space<vmem>>) target(%dma_start3A_131 : memref<2x16x512xf32, #tpu.memory_space<hbm>>) target_semaphore(%arg17 : memref<!tpu.dma_semaphore, #tpu.memory_space<semaphore_mem>>)
    }
    %scan3A_18 = arith.constant 64 : i32
    %dma_wait3A = arith.constant 504 : i32
    %dma_wait3A_19 = arith.constant 0 : i32
    %dma_wait3A_20 = tpu.memref_slice %arg4[%dma_wait3A, %mul3A_2, %dma_wait3A_19] : memref<512x512x512xf32, #tpu.memory_space<hbm>> -> memref<2x16x512xf32, #tpu.memory_space<hbm>>
    %dma_wait3A_21 = arith.constant 504 : i32
    %dma_wait3A_22 = arith.constant 0 : i32
    %dma_wait3A_23 = tpu.memref_slice %arg4[%dma_wait3A_21, %mul3A_2, %dma_wait3A_22] : memref<512x512x512xf32, #tpu.memory_space<hbm>> -> memref<2x16x512xf32, #tpu.memory_space<hbm>>
    tpu.wait_dma2 semaphore(%arg14 : memref<!tpu.dma_semaphore, #tpu.memory_space<semaphore_mem>>) src(%arg6 : memref<2x16x512xf32, #tpu.memory_space<vmem>>) dst(%dma_wait3A_23 : memref<2x16x512xf32, #tpu.memory_space<hbm>>)
    %dma_wait3A_24 = arith.constant 506 : i32
    %dma_wait3A_25 = arith.constant 0 : i32
    %dma_wait3A_26 = tpu.memref_slice %arg4[%dma_wait3A_24, %mul3A_2, %dma_wait3A_25] : memref<512x512x512xf32, #tpu.memory_space<hbm>> -> memref<2x16x512xf32, #tpu.memory_space<hbm>>
    %dma_wait3A_27 = arith.constant 506 : i32
    %dma_wait3A_28 = arith.constant 0 : i32
    %dma_wait3A_29 = tpu.memref_slice %arg4[%dma_wait3A_27, %mul3A_2, %dma_wait3A_28] : memref<512x512x512xf32, #tpu.memory_space<hbm>> -> memref<2x16x512xf32, #tpu.memory_space<hbm>>
    tpu.wait_dma2 semaphore(%arg15 : memref<!tpu.dma_semaphore, #tpu.memory_space<semaphore_mem>>) src(%arg7 : memref<2x16x512xf32, #tpu.memory_space<vmem>>) dst(%dma_wait3A_29 : memref<2x16x512xf32, #tpu.memory_space<hbm>>)
    %dma_wait3A_30 = arith.constant 508 : i32
    %dma_wait3A_31 = arith.constant 0 : i32
    %dma_wait3A_32 = tpu.memref_slice %arg4[%dma_wait3A_30, %mul3A_2, %dma_wait3A_31] : memref<512x512x512xf32, #tpu.memory_space<hbm>> -> memref<2x16x512xf32, #tpu.memory_space<hbm>>
    %dma_wait3A_33 = arith.constant 508 : i32
    %dma_wait3A_34 = arith.constant 0 : i32
    %dma_wait3A_35 = tpu.memref_slice %arg4[%dma_wait3A_33, %mul3A_2, %dma_wait3A_34] : memref<512x512x512xf32, #tpu.memory_space<hbm>> -> memref<2x16x512xf32, #tpu.memory_space<hbm>>
    tpu.wait_dma2 semaphore(%arg16 : memref<!tpu.dma_semaphore, #tpu.memory_space<semaphore_mem>>) src(%arg8 : memref<2x16x512xf32, #tpu.memory_space<vmem>>) dst(%dma_wait3A_35 : memref<2x16x512xf32, #tpu.memory_space<hbm>>)
    %dma_wait3A_36 = arith.constant 510 : i32
    %dma_wait3A_37 = arith.constant 0 : i32
    %dma_wait3A_38 = tpu.memref_slice %arg4[%dma_wait3A_36, %mul3A_2, %dma_wait3A_37] : memref<512x512x512xf32, #tpu.memory_space<hbm>> -> memref<2x16x512xf32, #tpu.memory_space<hbm>>
    %dma_wait3A_39 = arith.constant 510 : i32
    %dma_wait3A_40 = arith.constant 0 : i32
    %dma_wait3A_41 = tpu.memref_slice %arg4[%dma_wait3A_39, %mul3A_2, %dma_wait3A_40] : memref<512x512x512xf32, #tpu.memory_space<hbm>> -> memref<2x16x512xf32, #tpu.memory_space<hbm>>
    tpu.wait_dma2 semaphore(%arg17 : memref<!tpu.dma_semaphore, #tpu.memory_space<semaphore_mem>>) src(%arg9 : memref<2x16x512xf32, #tpu.memory_space<vmem>>) dst(%dma_wait3A_41 : memref<2x16x512xf32, #tpu.memory_space<hbm>>)
    return
  }
}

</mosaic_0001>

<sc_bundles>
// kernel: kernel.3.cloned.1.call-start
scs
__scs_entry_jumppad:
0x0: {  	(pc) =	sbr.rel $0x88, $3  }
0x1: {  	(tag) =	ssettag $0x0;
	lr =	simm.s32 $0x1  }
0x2: {  	[smem:$0x3F9F] =	sst lr;
	_ =	strace $0xD0000000  }
0x3: {  	_ = 	snop  }
0x4: {  	_ = 	snop  }
0x5: {  	_ = 	snop  }
0x6: {  	_ = 	snop  }
0x7: {  	_ = 	snop  }
__scs_overlays_trampoline_lowered:
0x8: {  	[smem:$0x3FAE] =	sst s0  }
0x9: {  	[smem:$0x3FAF] =	sst s1  }
0xa: {  	[smem:$0x3FB0] =	sst s2  }
0xb: {  	[smem:$0x3FB1] =	sst s3  }
0xc: {  	[smem:$0x3FB2] =	sst s4  }
0xd: {  	[smem:$0x3FB3] =	sst s5  }
0xe: {  	[smem:$0x3FB4] =	sst s6  }
0xf: {  	[smem:$0x3FB5] =	sst s7  }
0x10: {  	[smem:$0x3FB6] =	sst s8  }
0x11: {  	[smem:$0x3FB7] =	sst s9;
	s0 =	simm.s32 @!p0 $0x0  }
0x12: {  	s1 =	sld [smem:$0x3F9D];
	s0 =	simm.s32 @p0 $0x1  }
0x13: {  	[smem:$0x3FB8] =	sst s0;
	s0 =	simm.s32 @!p1 $0x0  }
0x14: {  	s2 =	sld [smem:$0x3F9C];
	s0 =	simm.s32 @p1 $0x1  }
0x15: {  	[smem:$0x3FB9] =	sst s0;
	s0 =	simm.s32 @!p2 $0x0  }
0x16: {  	s3 =	sld [smem:$0x3FDB];
	s0 =	simm.s32 @p2 $0x1  }
0x17: {  	s4 =	simm.s32 $0x1BF5;
	[smem:$0x3FBB] =	sst s0  }
0x18: {  	s0 =	sld [smem:$0x3F9E];
	_ =	swait.ge [sflag:s4], $0x0  }
0x19: {  	s7 =	sld [smem:$0x3F9F]  }
0x1a: {  	s8 =	sadd.s32 $0xFFFFE003, lr  }
0x1b: {  	s9 =	sadd.s32 $0xFFFFFEF7, lr;
	s5 =	simm.s32 $0xFFFFFFFF;
	p2 =	slt.u32 s8, $0xFFFFF086  }
0x1c: {  	p1 =	slt.u32 s9, $0xF7A;
	s5 =	simm.s32 @!p2 $0x0  }
0x1d: {  	s5 =	simm.s32 @p1 $0x1;
	p0 =	seq.s32 s7, s2  }
0x1e: {  	s7 =	smul.u32 @!p0 $0xF7A, s2;
	p2 =	seq.s32 @!p0 s5, $0x0  }
0x1f: {  	s9 =	smul.u32 $0xF7A, s1;
	s8 =	simm.s32 @!p0 $0x1BF5;
	p2 =	por !p2, p0  }
0x20: {  	[sflag:s8] =	ssyncset.s32 @!p0 $0xFFFFF086;
	s6 =	sadd.s32 @!p0 s3, s7;
	s7 =	simm.s32 @!p0 $0x108  }
0x21: {  	s3 =	sadd.s32 s3, s9;
	s6 =	sadd.s32 @!p0 $0x88, s6;
	s7 =	simm.s32 @p2 $0x1082  }
0x22: {  	[simem:s7], [sflag:s8] =	dma.local @!p0 [hbm:s6], $0xF7A  }
0x23: {  	s9 =	sor.u32 $0xD0000000, s2;
	s6 =	simm.s32 $0x108;
	_ =	swait.ge @!p0 [sflag:s8], $0x0  }
0x24: {  	s3 =	sadd.s32 $0x88, s3;
	s6 =	simm.s32 @!p1 $0x1082;
	[sflag:s4] =	ssyncset.s32 $0xFFFFF086  }
0x25: {  	[simem:s6], [sflag:s4] =	dma.local [hbm:s3], $0xF7A  }
0x26: {  	[smem:$0x3F9F] =	sst s1;
	(tag) =	ssettag s2;
	_ =	strace s9  }
0x27: {  	s1 =	sld [smem:$0x3FAF]  }
0x28: {  	s2 =	sld [smem:$0x3FB0]  }
0x29: {  	s4 =	sld [smem:$0x3FB2]  }
0x2a: {  	p0 =	seq.s32 s5, $0x0;
	s5 =	sld [smem:$0x3FB3]  }
0x2b: {  	s6 =	sld [smem:$0x3FB4]  }
0x2c: {  	s7 =	sld [smem:$0x3FB5]  }
0x2d: {  	s3 =	simm.s32 $0x108;
	s8 =	sld [smem:$0x3FB6]  }
0x2e: {  	s3 =	simm.s32 @!p0 $0x1082;
	s9 =	sld [smem:$0x3FB7]  }
0x2f: {  	lr =	sadd.s32 s0, s3;
	s0 =	sld [smem:$0x3FAE]  }
0x30: {  	s3 =	sld [smem:$0x3FB1]  }
0x31: {  	[smem:$0x3FBA] =	sst s10  }
0x32: {  	s10 =	sld [smem:$0x3FB8];
	_ =	sdelay $0x3  }
0x33: {  	p0 =	seq.s32 s10, $0x1;
	s10 =	sld [smem:$0x3FBA];
	_ =	sdelay $0x3  }
0x34: {  	[smem:$0x3FBA] =	sst s10  }
0x35: {  	s10 =	sld [smem:$0x3FB9];
	_ =	sdelay $0x3  }
0x36: {  	p1 =	seq.s32 s10, $0x1;
	s10 =	sld [smem:$0x3FBA];
	_ =	sdelay $0x3  }
0x37: {  	[smem:$0x3FBA] =	sst s10  }
0x38: {  	s10 =	sld [smem:$0x3FBB]  }
0x39: {  	_ = 	snop;
	(pc) =	sbr.ind lr, $3  }
0x3a: {  	_ = 	snop  }
0x3b: {  	_ = 	snop  }
0x3c: {  	p2 =	seq.s32 s10, $0x1;
	s10 =	sld [smem:$0x3FBA]  }
0x3d: {  	_ =	shalt  }
0x3e: {  	_ =	shalt  }
0x3f: {  	_ =	shalt  }
0x40: {  	_ =	shalt  }
0x41: {  	_ =	shalt  }
0x42: {  	_ =	shalt  }
0x43: {  	_ =	shalt  }
0x44: {  	_ =	shalt  }
0x45: {  	_ =	shalt  }
0x46: {  	_ =	shalt  }
0x47: {  	_ =	shalt  }
0x48: {  	_ =	shalt  }
0x49: {  	_ =	shalt  }
0x4a: {  	_ =	shalt  }
0x4b: {  	_ =	shalt  }
0x4c: {  	_ =	shalt  }
0x4d: {  	_ =	shalt  }
0x4e: {  	_ =	shalt  }
0x4f: {  	_ =	shalt  }
0x50: {  	_ =	shalt  }
0x51: {  	_ =	shalt  }
0x52: {  	_ =	shalt  }
0x53: {  	_ =	shalt  }
0x54: {  	_ =	shalt  }
0x55: {  	_ =	shalt  }
0x56: {  	_ =	shalt  }
0x57: {  	_ =	shalt  }
0x58: {  	_ =	shalt  }
0x59: {  	_ =	shalt  }
0x5a: {  	_ =	shalt  }
0x5b: {  	_ =	shalt  }
0x5c: {  	_ =	shalt  }
0x5d: {  	_ =	shalt  }
0x5e: {  	_ =	shalt  }
0x5f: {  	_ =	shalt  }
0x60: {  	_ =	shalt  }
0x61: {  	_ =	shalt  }
0x62: {  	_ =	shalt  }
0x63: {  	_ =	shalt  }
0x64: {  	_ =	shalt  }
0x65: {  	_ =	shalt  }
0x66: {  	_ =	shalt  }
0x67: {  	_ =	shalt  }
0x68: {  	_ =	shalt  }
0x69: {  	_ =	shalt  }
0x6a: {  	_ =	shalt  }
0x6b: {  	_ =	shalt  }
0x6c: {  	_ =	shalt  }
0x6d: {  	_ =	shalt  }
0x6e: {  	_ =	shalt  }
0x6f: {  	_ =	shalt  }
0x70: {  	_ =	shalt  }
0x71: {  	_ =	shalt  }
0x72: {  	_ =	shalt  }
0x73: {  	_ =	shalt  }
0x74: {  	_ =	shalt  }
0x75: {  	_ =	shalt  }
0x76: {  	_ =	shalt  }
0x77: {  	_ =	shalt  }
0x78: {  	_ =	shalt  }
0x79: {  	_ =	shalt  }
0x7a: {  	_ =	shalt  }
0x7b: {  	_ =	shalt  }
0x7c: {  	_ =	shalt  }
0x7d: {  	_ =	shalt  }
0x7e: {  	_ =	shalt  }
0x7f: {  	_ =	shalt  }
0x80: {  	_ =	shalt  }
0x81: {  	_ =	shalt  }
0x82: {  	_ =	shalt  }
0x83: {  	_ =	shalt  }
0x84: {  	_ =	shalt  }
0x85: {  	_ =	shalt  }
0x86: {  	_ =	shalt  }
0x87: {  	_ =	shalt  }
.Lfunc_end0:
.L_simem_size_0:
called_computation_lowered:
.L_overlay_start_0:
0x88: {  	s2 =	sld [smem:$0x3FD9]  }
0x89: {  	s3 =	sld [smem:$0x3FFE];
	_ =	sdelay $0x1  }
0x8a: {  	s1 =	srdreg.scid  }
0x8b: {  	s0 =	sand.u32 $0x1, s1  }
0x8c: {  	s18 =	sshll.u32 s0, $0xA;
	s2 =	sadd.s32 s3, s2  }
0x8d: {  	s2 =	sadd.s32 s2, s18  }
0x8e: {  	[smem:$0x3FC6] =	sst s2  }
0x8f: {  	_ = 	snop  }
0x90: {  	s2 =	sld [smem:$0x3FC9]  }
0x91: {  	s19 =	sld [smem:$0x3FC8]  }
0x92: {  	s4 =	sld [smem:$0x3FD0];
	(tm) =	ssettm $0x1  }
0x93: {  	s5 =	sld [smem:$0x3FFB];
	_ =	sdelay $0x3  }
0x94: {  	_ =	strace s5  }
0x95: {  	s5 =	sld [smem:$0x3FFC];
	_ =	sdelay $0x3  }
0x96: {  	_ =	strace s5  }
0x97: {  	s5 =	sld [smem:$0x3FFD];
	_ =	sdelay $0x3  }
0x98: {  	_ =	strace s5  }
0x99: {  	_ =	strace $0x8FFFFFFF  }
0x9a: {  	s20 =	sld [smem:$0x3FDB];
	_ =	sdelay $0x1  }
0x9b: {  	s6 =	simm.s32 $_scs_section_size  }
0x9c: {  	s7 =	simm.s32 $_size__tile_overlayer_lowered;
	s8 =	simm.s32 $_tile_overlayer_lowered  }
0x9d: {  	s23 =	simm.s32 $0x1BFF;
	s22 =	sshll.u32 s8, $0x1;
	s5 =	sadd.s32 s6, s20  }
0x9e: {  	s9 =	simm.s32 $0x0;
	s21 =	sshll.u32 s7, $0x1;
	s7 =	sadd.s32 s22, s5  }
0x9f: {  	[timem:s9], [sflag:s23] =	dma.local [hbm:s7], s21  }
0xa0: {  	_ =	swait.ge [sflag:s23], s21  }
0xa1: {  	s6 =	ssub.s32 $0x0, s21;
	[sflag:s23] =	ssyncset.done $0x0  }
0xa2: {  	[sflag:s23] =	ssyncadd.s32 s6;
	_ =	sdelay $0x1  }
0xa3: {  	s24 =	simm.s32 $0x1B8B  }
0xa4: {  	_ =	swait.ge [sflag:s24], $0x1  }
0xa5: {  	[sflag:s24] =	ssyncset.done $0x0  }
0xa6: {  	s25 =	simm.s32 $0x1B8E;
	[sflag:s24] =	ssyncadd.s32 $0xFFFFFFFF  }
0xa7: {  	s26 =	simm.s32 $execute0_lowered;
	[smem:$0x3FD2] =	sst s25  }
0xa8: {  	s6 =	sshll.u32 s26, $0x1;
	_ =	strace $0x80000046;
	[dreg:$0x1] =	wrdreg $0xFFFFFFFF  }
0xa9: {  	s28 =	simm.s32 $_size_execute0_lowered;
	s5 =	sadd.s32 s5, s6;
	[dreg:$0x0] =	wrdreg $0x0  }
0xaa: {  	s6 =	sshll.u32 s28, $0x1;
	[dreg:$0x2] =	wrdreg s5  }
0xab: {  	[dreg:$0x3] =	wrdreg s6  }
0xac: {  	[dreg:$0x4] =	wrdreg $0xC0  }
0xad: {  	_ =	task [dreg:s9], $0x5FFFF  }
0xae: {  	[dreg:$0x1] =	wrdreg $0xFFFFFFFF  }
0xaf: {  	[dreg:$0x0] =	wrdreg $0x60  }
0xb0: {  	[dreg:$0x2] =	wrdreg s2  }
0xb1: {  	[dreg:$0x3] =	wrdreg s19  }
0xb2: {  	[dreg:$0x4] =	wrdreg s4  }
0xb3: {  	[dreg:$0x5] =	wrdreg $0x9  }
0xb4: {  	_ =	task.clear_ibuf [dreg:s9], $0x6FFFF;
	_ =	strace $0x90000046  }
0xb5: {  	s29 =	simm.s32 $0x9;
	_ =	strace $0x80000048  }
0xb6: {  	_ =	swait.ge [sflag:s29], $0x1  }
0xb7: {  	[sflag:s29] =	ssyncadd.s32 $0xFFFFFFFF  }
0xb8: {  	_ =	strace $0x90000048  }
0xb9: {  	_ =	sfence  }
0xba: {  	s30 =	sld [smem:$0x0];
	_ =	sdelay $0x2  }
0xbb: {  	s31 =	sshll.u32 s1, $0xD;
	s1 =	sshrl.u32 s1, $0x2  }
0xbc: {  	s3 =	sand.u32 $0x4000, s31;
	s1 =	sadd.s32 s1, s30  }
0xbd: {  	s0 =	sor.u32 s3, s0;
	s1 =	sshll.u32 s1, $0x11  }
0xbe: {  	s0 =	sor.u32 s1, s0  }
0xbf: {  	s0 =	sadd.s32 $0x8F2B, s0  }
0xc0: {  	[sflag:s0] =	ssyncadd.remote.s32 $0x1  }
0xc1: {  	_ =	sfence.sel $0xFFFF  }
0xc2: {  	[dreg:$0x0] =	wrdreg $0xFFFFFFFF;
	(pc) =	sbr.abs _section_cstart, $3  }
0xc3: {  	[dreg:$0x1] =	wrdreg $0xFFFFFFFF  }
0xc4: {  	_ =	task.clear_ibuf [dreg:s9], $0x2FFFF;
	_ =	strace $0x9FFFFFFF  }
0xc5: {  	(tm) =	ssettm $0x7FFFFFFF  }
tec
execute0_lowered:
.L_overlay_start_1:
0x0: {  	(tag) =	ssettag $0x1  }
0x1: {  	s1 =	rddreg [dreg:$0x0]  }
0x2: {  	s4 =	rddreg [dreg:$0x1]  }
0x3: {  	s9 =	rddreg [dreg:$0x2];
	s0 =	simm.s32 $0x0;
	s5 =	srdreg.scid  }
0x4: {  	s28 =	stileid.u32;
	s14 =	simm.s32 $0xA000;
	s13 =	simm.s32 $0x6000  }
0x5: {  	s15 =	simm.s32 $0xE000;
	s16 =	simm.s32 $0x2;
	s17 =	simm.s32 $0x4  }
0x6: {  	s18 =	simm.s32 $0x5;
	s19 =	simm.s32 $0x6;
	s20 =	simm.s32 $0x7  }
0x7: {  	s21 =	simm.s32 $0x8;
	s22 =	simm.s32 $0x0;
	s5 =	sand.u32 $0x1, s5  }
0x8: {  	[smem:$0x7FF] =	sst s0;
	s7 =	sshll.u32 s28, $0xE;
	s6 =	ssub.s32 $0x2, s5  }
0x9: {  	s5 =	sshll.u32 s5, $0xD;
	_ =	strace $0x80000047;
	[dreg:$0x4] =	wrdreg s14  }
0xa: {  	s14 =	simm.s32 $0x1;
	s8 =	sshrl.u32 s6, $0x1;
	s10 =	sor.u32 s5, s7  }
0xb: {  	s29 =	ssub.s32 s6, s8;
	s11 =	sshrl.u32 s10, $0x3;
	s30 =	sor.u32 $0x280000, s10  }
0xc: {  	s8 =	sor.u32 $0x200000, s10;
	s10 =	simm.s32 $0x9;
	s4 =	sadd.s32 s4, s11  }
0xd: {  	s5 =	sadd.s32 s11, s1;
	s31 =	sshrl.u32 s30, $0x3;
	s7 =	smax.u32 s29, $0x1  }
0xe: {  	s9 =	sadd.s32 s11, s9;
	s11 =	simm.s32 $0x40000;
	s12 =	sadd.s32 s31, s1  }
0xf: {  	s6 =	sadd.s32 $0x10000, s5;
	[dreg:$0x5] =	wrdreg s12;
	s12 =	simm.s32 $0x2000  }
.LBB2_1:
0x10: {  	s0 =	simm.s32 $0x0  }
0x11: {  	[tilespmem:s0], [sflag:$0x9] =	stream.linear.gather [hbm4b:s4+s0], $0x2000, $0x38;
	[tilespmem:$0x12000] =	vst v63  }
0x12: {  	_ =	swait.ge [sflag:s10], $0x2000  }
0x13: {  	[sflag:s10] =	ssyncset.done $0x0  }
0x14: {  	p0 =	por $0x1, $0x1;
	[sflag:s10] =	ssyncadd.s32 $0xFFFFE000  }
0x15: {  	[tilespmem:s12], [sflag:$0x1] =	stream.strided.gather [hbm4b:s5+s12], $0x4000, s11, s12, $0x38;
	[tilespmem:$0x12000] =	vst v63  }
0x16: {  	s23 =	simm.s32 @!p0 $0x7  }
0x17: {  	[tilespmem:s13], [sflag:$0x2] =	stream.strided.gather [hbm4b:s6+s12], $0x4000, s11, s12, $0x38;
	[tilespmem:$0x12000] =	vst v63  }
0x18: {  	_ =	swait.ge @!p0 [sflag:s23], $0x4000  }
0x19: {  	s25 =	sadd.s32 $0x0, s5;
	[sflag:s23] =	ssyncset.done @!p0 $0x0  }
0x1a: {  	s29 =	sadd.s32 $0x20000, s25;
	s24 =	rddreg [dreg:$0x4];
	[sflag:s23] =	ssyncadd.s32 @!p0 $0xFFFFC000  }
0x1b: {  	[tilespmem:s24], [sflag:$0x3] =	stream.strided.gather [hbm4b:s29+s12], $0x4000, s11, s12, $0x38;
	[tilespmem:$0x12000] =	vst v63  }
0x1c: {  	_ =	swait.ge [sflag:s14], $0x4000  }
0x1d: {  	[sflag:s14] =	ssyncset.done $0x0  }
0x1e: {  	s30 =	sadd.s32 $0x0, s9;
	s23 =	simm.s32 @!p0 $0x8;
	[sflag:s14] =	ssyncadd.s32 $0xFFFFC000  }
0x1f: {  	[hbm4b:s30+s12] =	stream.strided.scatter [tilespmem:s12], [sflag:$0x5], $0x4000, s11, s12, $0x38;
	[tilespmem:$0x12000] =	vst v63  }
0x20: {  	_ =	swait.ge @!p0 [sflag:s23], $0x4000  }
0x21: {  	[sflag:s23] =	ssyncset.done @!p0 $0x0  }
0x22: {  	s25 =	sadd.s32 $0x30000, s25;
	[sflag:s23] =	ssyncadd.s32 @!p0 $0xFFFFC000  }
0x23: {  	[tilespmem:s15], [sflag:$0x4] =	stream.strided.gather [hbm4b:s25+s12], $0x4000, s11, s12, $0x38;
	[tilespmem:$0x12000] =	vst v63  }
0x24: {  	_ =	swait.ge [sflag:s16], $0x4000  }
0x25: {  	p0 =	por $0x0, $0x0;
	[sflag:s16] =	ssyncset.done $0x0  }
0x26: {  	s31 =	sadd.s32 $0x10000, s30;
	s25 =	simm.s32 @p0 $0x3;
	[sflag:s16] =	ssyncadd.s32 $0xFFFFC000  }
0x27: {  	[hbm4b:s31+s12] =	stream.strided.scatter [tilespmem:s13], [sflag:$0x6], $0x4000, s11, s12, $0x38;
	[tilespmem:$0x12000] =	vst v63  }
0x28: {  	s26 =	sadd.s32 @p0 $0x0, s9;
	s28 =	simm.s32 @p0 $0x2000;
	_ =	swait.ge @p0 [sflag:s25], $0x4000  }
0x29: {  	s29 =	simm.s32 @p0 $0x40000;
	s23 =	sadd.s32 @p0 $0x20000, s26;
	[sflag:s25] =	ssyncset.done @p0 $0x0  }
0x2a: {  	s26 =	simm.s32 @p0 $0xA000;
	[sflag:s25] =	ssyncadd.s32 @p0 $0xFFFFC000;
	s25 =	simm.s32 @!p0 $0x5  }
0x2b: {  	[hbm4b:s23+s28] =	stream.strided.scatter @p0 [tilespmem:s26], [sflag:$0x7], $0x4000, s29, s28, $0x38;
	[tilespmem:$0x12000] =	vst v63  }
0x2c: {  	s23 =	sshrl.u32 @!p0 s8, $0x3;
	_ =	swait.ge @!p0 [sflag:s25], $0x4000  }
0x2d: {  	s26 =	simm.s32 @!p0 $0x40000;
	s28 =	simm.s32 @!p0 $0x2000;
	[sflag:s25] =	ssyncset.done @!p0 $0x0  }
0x2e: {  	s23 =	sadd.s32 @!p0 s1, s23;
	[sflag:s25] =	ssyncadd.s32 @!p0 $0xFFFFC000;
	s25 =	simm.s32 @!p0 $0x3  }
0x2f: {  	[tilespmem:s28], [sflag:$0x1] =	stream.strided.gather @!p0 [hbm4b:s23+s28], $0x4000, s26, s28, $0x38;
	[tilespmem:$0x12000] =	vst v63  }
0x30: {  	_ =	swait.ge @!p0 [sflag:s25], $0x4000  }
0x31: {  	s29 =	simm.s32 @!p0 $0xA000;
	s23 =	sadd.s32 @!p0 $0x0, s9;
	[sflag:s25] =	ssyncset.done @!p0 $0x0  }
0x32: {  	s23 =	sadd.s32 @!p0 $0x20000, s23;
	[sflag:s25] =	ssyncadd.s32 @!p0 $0xFFFFC000;
	s25 =	simm.s32 @!p0 $0x6  }
0x33: {  	[hbm4b:s23+s28] =	stream.strided.scatter @!p0 [tilespmem:s29], [sflag:$0x7], $0x4000, s26, s28, $0x38;
	[tilespmem:$0x12000] =	vst v63  }
0x34: {  	_ =	swait.ge @!p0 [sflag:s25], $0x4000  }
0x35: {  	s23 =	rddreg [dreg:$0x5];
	[sflag:s25] =	ssyncset.done @!p0 $0x0  }
0x36: {  	[sflag:s25] =	ssyncadd.s32 @!p0 $0xFFFFC000;
	s25 =	simm.s32 @!p0 $0x6000;
	s23 =	sadd.s32 @!p0 $0x0, s23  }
0x37: {  	[tilespmem:s25], [sflag:$0x2] =	stream.strided.gather @!p0 [hbm4b:s23+s28], $0x4000, s26, s28, $0x38;
	[tilespmem:$0x12000] =	vst v63  }
0x38: {  	p1 =	por $0x0, $0x0;
	s24 =	sadd.s32 $0x200000, s8;
	s23 =	simm.s32 $0x40000  }
0x39: {  	s25 =	simm.s32 $0x80000;
	s28 =	sadd.s32 $0x30000, s30;
	_ =	swait.ge [sflag:s17], $0x4000  }
.LBB2_2:
0x3a: {  	[sflag:s17] =	ssyncset.done $0x0  }
0x3b: {  	s29 =	simm.s32 @!p1 $0x7;
	[sflag:s17] =	ssyncadd.s32 $0xFFFFC000  }
0x3c: {  	[hbm4b:s28+s12] =	stream.strided.scatter [tilespmem:s15], [sflag:$0x8], $0x4000, s11, s12, $0x38;
	[tilespmem:$0x12000] =	vst v63  }
0x3d: {  	_ =	swait.ge @!p1 [sflag:s29], $0x4000  }
0x3e: {  	s30 =	sadd.s32 s23, s5;
	[sflag:s29] =	ssyncset.done @!p1 $0x0  }
0x3f: {  	s2 =	sadd.s32 $0x20000, s30;
	s28 =	rddreg [dreg:$0x4];
	[sflag:s29] =	ssyncadd.s32 @!p1 $0xFFFFC000  }
0x40: {  	[tilespmem:s28], [sflag:$0x3] =	stream.strided.gather [hbm4b:s2+s12], $0x4000, s11, s12, $0x38;
	[tilespmem:$0x12000] =	vst v63  }
0x41: {  	_ =	swait.ge [sflag:s14], $0x4000  }
0x42: {  	[sflag:s14] =	ssyncset.done $0x0  }
0x43: {  	s3 =	sadd.s32 s23, s9;
	s31 =	simm.s32 @!p1 $0x8;
	[sflag:s14] =	ssyncadd.s32 $0xFFFFC000  }
0x44: {  	[hbm4b:s3+s12] =	stream.strided.scatter [tilespmem:s12], [sflag:$0x5], $0x4000, s11, s12, $0x38;
	[tilespmem:$0x12000] =	vst v63  }
0x45: {  	_ =	swait.ge @!p1 [sflag:s31], $0x4000  }
0x46: {  	[sflag:s31] =	ssyncset.done @!p1 $0x0  }
0x47: {  	s30 =	sadd.s32 $0x30000, s30;
	[sflag:s31] =	ssyncadd.s32 @!p1 $0xFFFFC000  }
0x48: {  	[tilespmem:s15], [sflag:$0x4] =	stream.strided.gather [hbm4b:s30+s12], $0x4000, s11, s12, $0x38;
	[tilespmem:$0x12000] =	vst v63  }
0x49: {  	_ =	swait.ge [sflag:s16], $0x4000  }
0x4a: {  	s26 =	smov.u32 s25;
	p1 =	seq.s32 s23, $0xFC0000;
	[sflag:s16] =	ssyncset.done $0x0  }
0x4b: {  	s29 =	sadd.s32 $0x10000, s3;
	s30 =	simm.s32 @p1 $0x3;
	[sflag:s16] =	ssyncadd.s32 $0xFFFFC000  }
0x4c: {  	[hbm4b:s29+s12] =	stream.strided.scatter [tilespmem:s13], [sflag:$0x6], $0x4000, s11, s12, $0x38;
	[tilespmem:$0x12000] =	vst v63  }
0x4d: {  	s31 =	sadd.s32 @p1 s23, s9;
	s0 =	simm.s32 @p1 $0x2000;
	_ =	swait.ge @p1 [sflag:s30], $0x4000  }
0x4e: {  	s2 =	simm.s32 @p1 $0x40000;
	s29 =	sadd.s32 @p1 $0x20000, s31;
	[sflag:s30] =	ssyncset.done @p1 $0x0  }
0x4f: {  	s31 =	simm.s32 @p1 $0xA000;
	[sflag:s30] =	ssyncadd.s32 @p1 $0xFFFFC000;
	s30 =	simm.s32 @!p1 $0x5  }
0x50: {  	[hbm4b:s29+s0] =	stream.strided.scatter @p1 [tilespmem:s31], [sflag:$0x7], $0x4000, s2, s0, $0x38;
	[tilespmem:$0x12000] =	vst v63  }
0x51: {  	s28 =	sadd.s32 $0x30000, s3;
	s3 =	sshrl.u32 @!p1 s24, $0x3;
	_ =	swait.ge @!p1 [sflag:s30], $0x4000  }
0x52: {  	s0 =	sadd.s32 @!p1 s1, s3;
	s3 =	simm.s32 @!p1 $0x40000;
	[sflag:s30] =	ssyncset.done @!p1 $0x0  }
0x53: {  	s29 =	simm.s32 @!p1 $0x2000;
	[sflag:s30] =	ssyncadd.s32 @!p1 $0xFFFFC000;
	s30 =	simm.s32 @!p1 $0x3  }
0x54: {  	[tilespmem:s29], [sflag:$0x1] =	stream.strided.gather @!p1 [hbm4b:s0+s29], $0x4000, s3, s29, $0x38;
	[tilespmem:$0x12000] =	vst v63  }
0x55: {  	s25 =	sadd.s32 $0x40000, s25;
	s2 =	sadd.s32 @!p1 s23, s9;
	_ =	swait.ge @!p1 [sflag:s30], $0x4000  }
0x56: {  	p0 =	sne.s32 s25, $0x1000000;
	s2 =	sadd.s32 @!p1 $0x20000, s2;
	[sflag:s30] =	ssyncset.done @!p1 $0x0  }
0x57: {  	s0 =	simm.s32 @!p1 $0xA000;
	[sflag:s30] =	ssyncadd.s32 @!p1 $0xFFFFC000;
	s30 =	simm.s32 @!p1 $0x6  }
0x58: {  	[hbm4b:s2+s29] =	stream.strided.scatter @!p1 [tilespmem:s0], [sflag:$0x7], $0x4000, s3, s29, $0x38;
	[tilespmem:$0x12000] =	vst v63  }
.Ltmp0:
0x59: {  	_ =	swait.ge @!p1 [sflag:s30], $0x4000;
	(pc) =	sbr.rel @p0 .LBB2_2-.Ltmp0, $4  }
0x5a: {  	s2 =	simm.s32 @!p1 $0x6000;
	[sflag:s30] =	ssyncset.done @!p1 $0x0;
	s0 =	rddreg [dreg:$0x5]  }
0x5b: {  	[sflag:s30] =	ssyncadd.s32 @!p1 $0xFFFFC000;
	s0 =	sadd.s32 @!p1 s23, s0;
	s23 =	smov.u32 s26  }
0x5c: {  	[tilespmem:s2], [sflag:$0x2] =	stream.strided.gather @!p1 [hbm4b:s0+s29], $0x4000, s3, s29, $0x38;
	[tilespmem:$0x12000] =	vst v63  }
0x5d: {  	s24 =	sadd.s32 $0x200000, s24;
	p1 =	seq.s32 s23, $0x0;
	_ =	swait.ge [sflag:s17], $0x4000  }
0x5e: {  	[sflag:s17] =	ssyncset.done $0x0  }
0x5f: {  	s0 =	simm.s32 @!p1 $0x7;
	[sflag:s17] =	ssyncadd.s32 $0xFFFFC000  }
0x60: {  	[hbm4b:s28+s12] =	stream.strided.scatter [tilespmem:s15], [sflag:$0x8], $0x4000, s11, s12, $0x38;
	[tilespmem:$0x12000] =	vst v63  }
0x61: {  	_ =	swait.ge @!p1 [sflag:s0], $0x4000  }
0x62: {  	s3 =	sadd.s32 s23, s5;
	[sflag:s0] =	ssyncset.done @!p1 $0x0  }
0x63: {  	s29 =	sadd.s32 $0x20000, s3;
	s2 =	rddreg [dreg:$0x4];
	[sflag:s0] =	ssyncadd.s32 @!p1 $0xFFFFC000  }
0x64: {  	[tilespmem:s2], [sflag:$0x3] =	stream.strided.gather [hbm4b:s29+s12], $0x4000, s11, s12, $0x38;
	[tilespmem:$0x12000] =	vst v63  }
0x65: {  	_ =	swait.ge [sflag:s14], $0x4000  }
0x66: {  	[sflag:s14] =	ssyncset.done $0x0  }
0x67: {  	s30 =	sadd.s32 s23, s9;
	s2 =	simm.s32 @!p1 $0x8;
	[sflag:s14] =	ssyncadd.s32 $0xFFFFC000  }
0x68: {  	[hbm4b:s30+s12] =	stream.strided.scatter [tilespmem:s12], [sflag:$0x5], $0x4000, s11, s12, $0x38;
	[tilespmem:$0x12000] =	vst v63  }
0x69: {  	_ =	swait.ge @!p1 [sflag:s2], $0x4000  }
0x6a: {  	[sflag:s2] =	ssyncset.done @!p1 $0x0  }
0x6b: {  	s3 =	sadd.s32 $0x30000, s3;
	[sflag:s2] =	ssyncadd.s32 @!p1 $0xFFFFC000  }
0x6c: {  	[tilespmem:s15], [sflag:$0x4] =	stream.strided.gather [hbm4b:s3+s12], $0x4000, s11, s12, $0x38;
	[tilespmem:$0x12000] =	vst v63  }
0x6d: {  	_ =	swait.ge [sflag:s16], $0x4000  }
0x6e: {  	p0 =	seq.s32 s23, $0xFC0000;
	[sflag:s16] =	ssyncset.done $0x0  }
0x6f: {  	s31 =	sadd.s32 $0x10000, s30;
	s3 =	simm.s32 @p0 $0x3;
	[sflag:s16] =	ssyncadd.s32 $0xFFFFC000  }
0x70: {  	[hbm4b:s31+s12] =	stream.strided.scatter [tilespmem:s13], [sflag:$0x6], $0x4000, s11, s12, $0x38;
	[tilespmem:$0x12000] =	vst v63  }
0x71: {  	s25 =	sadd.s32 @p0 s23, s9;
	s26 =	simm.s32 @p0 $0x2000;
	_ =	swait.ge @p0 [sflag:s3], $0x4000  }
0x72: {  	s28 =	simm.s32 @p0 $0x40000;
	s2 =	sadd.s32 @p0 $0x20000, s25;
	[sflag:s3] =	ssyncset.done @p0 $0x0  }
0x73: {  	s25 =	simm.s32 @p0 $0xA000;
	[sflag:s3] =	ssyncadd.s32 @p0 $0xFFFFC000;
	s3 =	simm.s32 @!p0 $0x5  }
0x74: {  	[hbm4b:s2+s26] =	stream.strided.scatter @p0 [tilespmem:s25], [sflag:$0x7], $0x4000, s28, s26, $0x38;
	[tilespmem:$0x12000] =	vst v63  }
0x75: {  	s2 =	sshrl.u32 @!p0 s24, $0x3;
	_ =	swait.ge @!p0 [sflag:s3], $0x4000  }
0x76: {  	s24 =	simm.s32 @!p0 $0x40000;
	s25 =	simm.s32 @!p0 $0x2000;
	[sflag:s3] =	ssyncset.done @!p0 $0x0  }
0x77: {  	s2 =	sadd.s32 @!p0 s1, s2;
	[sflag:s3] =	ssyncadd.s32 @!p0 $0xFFFFC000;
	s3 =	simm.s32 @!p0 $0x3  }
0x78: {  	[tilespmem:s25], [sflag:$0x1] =	stream.strided.gather @!p0 [hbm4b:s2+s25], $0x4000, s24, s25, $0x38;
	[tilespmem:$0x12000] =	vst v63  }
0x79: {  	_ =	swait.ge @!p0 [sflag:s3], $0x4000  }
0x7a: {  	s26 =	simm.s32 @!p0 $0xA000;
	s2 =	sadd.s32 @!p0 s23, s9;
	[sflag:s3] =	ssyncset.done @!p0 $0x0  }
0x7b: {  	s2 =	sadd.s32 @!p0 $0x20000, s2;
	[sflag:s3] =	ssyncadd.s32 @!p0 $0xFFFFC000;
	s3 =	simm.s32 @!p0 $0x6  }
0x7c: {  	[hbm4b:s2+s25] =	stream.strided.scatter @!p0 [tilespmem:s26], [sflag:$0x7], $0x4000, s24, s25, $0x38;
	[tilespmem:$0x12000] =	vst v63  }
0x7d: {  	_ =	swait.ge @!p0 [sflag:s3], $0x4000  }
0x7e: {  	s2 =	rddreg [dreg:$0x5];
	[sflag:s3] =	ssyncset.done @!p0 $0x0  }
0x7f: {  	[sflag:s3] =	ssyncadd.s32 @!p0 $0xFFFFC000;
	s3 =	simm.s32 @!p0 $0x6000;
	s2 =	sadd.s32 @!p0 s23, s2  }
0x80: {  	[tilespmem:s3], [sflag:$0x2] =	stream.strided.gather @!p0 [hbm4b:s2+s25], $0x4000, s24, s25, $0x38;
	[tilespmem:$0x12000] =	vst v63  }
0x81: {  	_ =	swait.ge [sflag:s17], $0x4000  }
0x82: {  	[sflag:s17] =	ssyncset.done $0x0  }
0x83: {  	s0 =	sadd.s32 $0x30000, s30;
	[sflag:s17] =	ssyncadd.s32 $0xFFFFC000  }
0x84: {  	[hbm4b:s0+s12] =	stream.strided.scatter [tilespmem:s15], [sflag:$0x8], $0x4000, s11, s12, $0x38;
	[tilespmem:$0x12000] =	vst v63  }
0x85: {  	_ =	swait.ge [sflag:s18], $0x4000  }
0x86: {  	[sflag:s18] =	ssyncset.done $0x0  }
0x87: {  	[sflag:s18] =	ssyncadd.s32 $0xFFFFC000  }
0x88: {  	_ =	swait.ge [sflag:s19], $0x4000  }
0x89: {  	[sflag:s19] =	ssyncset.done $0x0  }
0x8a: {  	s22 =	sadd.s32 $0x1, s22;
	[sflag:s19] =	ssyncadd.s32 $0xFFFFC000  }
0x8b: {  	p0 =	sne.s32 s22, s7;
	_ =	swait.ge [sflag:s20], $0x4000  }
.Ltmp1:
0x8c: {  	[sflag:s20] =	ssyncset.done $0x0;
	(pc) =	sbr.rel @p0 .LBB2_1-.Ltmp1, $4  }
0x8d: {  	[sflag:s20] =	ssyncadd.s32 $0xFFFFC000  }
0x8e: {  	_ =	swait.ge [sflag:s21], $0x4000  }
0x8f: {  	[sflag:s21] =	ssyncset.done $0x0  }
0x90: {  	[sflag:s21] =	ssyncadd.s32 $0xFFFFC000  }
0x91: {  	_ =	sfence.sel $0x180000  }
0x92: {  	[bflag:$0x0] =	sbarrier.arrive $0xFFFF  }
0x93: {  	_ =	strace $0x90000047  }
0x94: {  	s0 =	stileid.u32;
	[bflag:$0x2] =	sbarrier.arrive $0xFFFF  }
0x95: {  	p0 =	sne.s32 s0, $0x0;
	s0 =	rddreg [dreg:$0x3]  }
0x96: {  	s0 =	sadd.s32 @!p0 $0x100000, s0  }
0x97: {  	[sflag:s0] =	ssyncadd.tile.s32 @!p0 $0x1;
	_ =	shalt  }
.Lfunc_end2:
_tile_overlayer_lowered:
.L_overlay_start_2:
0x98: {  	(tag) =	ssettag $0x2  }
0x99: {  	s0 =	rddreg [dreg:$0x0];
	s2 =	stileid.u32  }
0x9a: {  	s1 =	rddreg [dreg:$0x1];
	p0 =	sne.s32 s2, $0x0  }
0x9b: {  	s3 =	rddreg [dreg:$0x2];
	[bflag:$0x3] =	sbarrier.arrive $0xFFFF;
	s2 =	simm.s32 @!p0 $0x1C09  }
0x9c: {  	[timem:s3], [sflag:s2] =	dma.local @!p0 [hbm:s0], s1  }
0x9d: {  	s0 =	simm.s32 @!p0 $0x9  }
0x9e: {  	_ =	swait.ge @!p0 [sflag:s0], s1  }
0x9f: {  	s1 =	ssub.s32 @!p0 $0x0, s1;
	[sflag:s0] =	ssyncset.done @!p0 $0x0  }
0xa0: {  	[sflag:s0] =	ssyncadd.s32 @!p0 s1  }
0xa1: {  	[bflag:$0x3] =	sbarrier.arrive $0xFFFF  }
0xa2: {  	_ =	shalt  }

</sc_bundles>
